<compile_context>
chip_gen: v7x
topology: tpu7x:2x2x1
jax: 0.10.2.dev20260603
libtpu: 0.0.44.dev20260713+nightly
codegen_flags: <defaults>
</compile_context>

<pallas_src>
import functools

import jax
import jax.numpy as jnp
from jax import lax
from jax.experimental import pallas as pl
from jax.experimental.pallas import tpu as pltpu
from jax.experimental.pallas import tpu_sc as plsc

NUM_ROWS = 1024
SEQ = 200
DIM = 128

_info = plsc.get_sparse_core_info()
NC, NS = _info.num_cores, _info.num_subcores
NW = NC * NS
B = NUM_ROWS * SEQ
B_PER_W = B // NW
CHUNK = 128
NCHUNK = B_PER_W // CHUNK
NBUF = 5
LOOK = 3
NITER = NCHUNK // NBUF

_mesh = plsc.VectorSubcoreMesh(core_axis_name="c", subcore_axis_name="s")


@functools.partial(
    pl.kernel,
    mesh=_mesh,
    out_type=jax.ShapeDtypeStruct((B, DIM), jnp.float32),
    scratch_types=[
        pltpu.VMEM((NCHUNK, CHUNK), jnp.int32),
        pltpu.VMEM((NBUF, CHUNK, DIM), jnp.float32),
    ]
    + [pltpu.SemaphoreType.DMA] * (2 * NBUF),
)
def _emb_gather(idx_hbm, table_hbm, out_hbm, idx_v, rows_v, *sems):
    gsem, wsem = sems[:NBUF], sems[NBUF:]
    wid = lax.axis_index("s") * NC + lax.axis_index("c")
    base = wid * B_PER_W
    pltpu.sync_copy(idx_hbm.at[wid], idx_v)

    def start_gather(j, b):
        pltpu.async_copy(table_hbm.at[idx_v.at[j]], rows_v.at[b], gsem[b])

    def wait_gather(b):
        pltpu.make_async_copy(
            table_hbm.at[pl.ds(0, CHUNK)], rows_v.at[b], gsem[b]
        ).wait()

    def start_write(j, b):
        pltpu.async_copy(
            rows_v.at[b], out_hbm.at[pl.ds(base + j * CHUNK, CHUNK)], wsem[b]
        )

    def wait_write(b):
        pltpu.make_async_copy(
            rows_v.at[b], out_hbm.at[pl.ds(base, CHUNK)], wsem[b]
        ).wait()

    for p in range(LOOK):
        start_gather(p, p)

    def outer(i, carry):
        for b in range(NBUF):
            j = i * NBUF + b
            wait_gather(b)
            start_write(j, b)
            bn = (b + LOOK) % NBUF
            if b < NBUF - LOOK:
                @pl.when(i >= 1)
                def _():
                    wait_write(bn)

                start_gather(j + LOOK, bn)
            else:
                wait_write(bn)

                @pl.when(i < NITER - 1)
                def _():
                    start_gather(j + LOOK, bn)
        return carry

    lax.fori_loop(0, NITER, outer, 0)
    for b in range(LOOK, NBUF):
        wait_write(b)


def kernel(input_, weight):
    idx = input_.astype(jnp.int32).reshape(NW, NCHUNK, CHUNK)
    out = _emb_gather(idx, weight)
    return out.reshape(NUM_ROWS, SEQ, DIM)

# --- scband reference (transcript-rebuilt; emitter-appended) ---
"""Pipeline reference for scband-vocab-parallel-embedding-42451456753953 (READ-ONLY COPY).

The authoritative reference and input builder live on the scoring server;
editing this copy changes nothing except your own understanding.
"""

import jax, jax.numpy as jnp
import numpy as np

NUM_EMBEDDINGS = 1000000
EMBEDDING_DIM = 128

def setup_inputs(seed: int = 0) -> dict:
    key = jax.random.key(seed)
    k_idx, k_w = jax.random.split(key)
    input_ = jax.random.randint(k_idx, (1024, 200), 0, NUM_EMBEDDINGS, dtype=jnp.int64 if jax.config.jax_enable_x64 else jnp.int32)
    weight = jax.random.normal(k_w, (NUM_EMBEDDINGS, EMBEDDING_DIM), dtype=jnp.float32) * 0.02
    return {"input_": input_, "weight": weight}

def reference(input_, weight):
    # tp_group.size() == 1 path: no vocab-range masking, no all-reduce.
    # F.embedding(masked_input, self.weight) -> gather rows of the table.
    output = jnp.take(weight, input_, axis=0)
    return output

if __name__ == "__main__":
    import jax
    _d = setup_inputs()
    print(jax.jit(kernel)(*tuple(_d.values())))

</pallas_src>

<mosaic_0001>
#map = affine_map<(d0, d1) -> (0, 0, 0)>
#map1 = affine_map<(d0, d1) -> (0, 0)>
module attributes {stable_mosaic.version = 14 : i64} {
  func.func @_emb_gather(%arg0: i32, %arg1: i32, %arg2: memref<32x50x128xi32, #tpu.memory_space<hbm>>, %arg3: memref<1000000x128xf32, #tpu.memory_space<hbm>>, %arg4: memref<204800x128xf32, #tpu.memory_space<hbm>>, %arg5: memref<50x128xi32, #tpu.memory_space<vmem>>, %arg6: memref<5x128x128xf32, #tpu.memory_space<vmem>>, %arg7: memref<!tpu.dma_semaphore, #tpu.memory_space<semaphore_mem>>, %arg8: memref<!tpu.dma_semaphore, #tpu.memory_space<semaphore_mem>>, %arg9: memref<!tpu.dma_semaphore, #tpu.memory_space<semaphore_mem>>, %arg10: memref<!tpu.dma_semaphore, #tpu.memory_space<semaphore_mem>>, %arg11: memref<!tpu.dma_semaphore, #tpu.memory_space<semaphore_mem>>, %arg12: memref<!tpu.dma_semaphore, #tpu.memory_space<semaphore_mem>>, %arg13: memref<!tpu.dma_semaphore, #tpu.memory_space<semaphore_mem>>, %arg14: memref<!tpu.dma_semaphore, #tpu.memory_space<semaphore_mem>>, %arg15: memref<!tpu.dma_semaphore, #tpu.memory_space<semaphore_mem>>, %arg16: memref<!tpu.dma_semaphore, #tpu.memory_space<semaphore_mem>>) attributes {dimension_semantics = [#tpu.dimension_semantics<core_parallel>, #tpu.dimension_semantics<subcore_parallel>], iteration_bounds = array<i64: 2, 16>, scalar_prefetch = 0 : i64, scratch_operands = 12 : i64, tpu.core_type = #tpu.core_type<sc_vector_subcore>, window_params = [{transform_indices = #map}, {transform_indices = #map1}, {transform_indices = #map1}]} {
    %mul3A = arith.constant 2 : i32
    %mul3A_0 = arith.muli %arg1, %mul3A : i32
    %add3A = arith.addi %mul3A_0, %arg0 : i32
    %mul3A_1 = arith.constant 6400 : i32
    %mul3A_2 = arith.muli %add3A, %mul3A_1 : i32
    "tpu.region"() ({
      %run_scoped3A = tpu.sem_alloc : memref<!tpu.dma_semaphore, #tpu.memory_space<semaphore_mem>>
      %dma_start3A_68 = arith.constant 0 : i32
      %dma_start3A_69 = arith.constant 0 : i32
      %dma_start3A_70 = tpu.memref_slice %arg2[%add3A, %dma_start3A_68, %dma_start3A_69] : memref<32x50x128xi32, #tpu.memory_space<hbm>> -> memref<1x50x128xi32, #tpu.memory_space<hbm>>
      %dma_start3A_71 = tpu.memref_squeeze %dma_start3A_70 : memref<1x50x128xi32, #tpu.memory_space<hbm>> -> memref<50x128xi32, #tpu.memory_space<hbm>>
      %dma_start3A_72 = arith.constant 0 : i32
      %dma_start3A_73 = arith.constant 0 : i32
      %dma_start3A_74 = tpu.memref_slice %arg2[%add3A, %dma_start3A_72, %dma_start3A_73] : memref<32x50x128xi32, #tpu.memory_space<hbm>> -> memref<1x50x128xi32, #tpu.memory_space<hbm>>
      %dma_start3A_75 = tpu.memref_squeeze %dma_start3A_74 : memref<1x50x128xi32, #tpu.memory_space<hbm>> -> memref<50x128xi32, #tpu.memory_space<hbm>>
      tpu.enqueue_dma source(%dma_start3A_75 : memref<50x128xi32, #tpu.memory_space<hbm>>) target(%arg5 : memref<50x128xi32, #tpu.memory_space<vmem>>) target_semaphore(%run_scoped3A : memref<!tpu.dma_semaphore, #tpu.memory_space<semaphore_mem>>)
      %dma_wait3A_76 = arith.constant 0 : i32
      %dma_wait3A_77 = arith.constant 0 : i32
      %dma_wait3A_78 = tpu.memref_slice %arg2[%add3A, %dma_wait3A_76, %dma_wait3A_77] : memref<32x50x128xi32, #tpu.memory_space<hbm>> -> memref<1x50x128xi32, #tpu.memory_space<hbm>>
      %dma_wait3A_79 = tpu.memref_squeeze %dma_wait3A_78 : memref<1x50x128xi32, #tpu.memory_space<hbm>> -> memref<50x128xi32, #tpu.memory_space<hbm>>
      %dma_wait3A_80 = arith.constant 0 : i32
      %dma_wait3A_81 = arith.constant 0 : i32
      %dma_wait3A_82 = tpu.memref_slice %arg2[%add3A, %dma_wait3A_80, %dma_wait3A_81] : memref<32x50x128xi32, #tpu.memory_space<hbm>> -> memref<1x50x128xi32, #tpu.memory_space<hbm>>
      %dma_wait3A_83 = tpu.memref_squeeze %dma_wait3A_82 : memref<1x50x128xi32, #tpu.memory_space<hbm>> -> memref<50x128xi32, #tpu.memory_space<hbm>>
      tpu.wait_dma2 semaphore(%run_scoped3A : memref<!tpu.dma_semaphore, #tpu.memory_space<semaphore_mem>>) src(%dma_wait3A_83 : memref<50x128xi32, #tpu.memory_space<hbm>>) dst(%arg5 : memref<50x128xi32, #tpu.memory_space<vmem>>)
      tpu.yield
    }) : () -> ()
    %dma_start3A = arith.constant 0 : i32
    %dma_start3A_3 = arith.constant 0 : i32
    %dma_start3A_4 = arith.constant 0 : i32
    %dma_start3A_5 = arith.constant 0 : i32
    %dma_start3A_6 = tpu.memref_slice %arg6[%dma_start3A_3, %dma_start3A_4, %dma_start3A_5] : memref<5x128x128xf32, #tpu.memory_space<vmem>> -> memref<1x128x128xf32, #tpu.memory_space<vmem>>
    %dma_start3A_7 = tpu.memref_squeeze %dma_start3A_6 : memref<1x128x128xf32, #tpu.memory_space<vmem>> -> memref<128x128xf32, #tpu.memory_space<vmem>>
    %dma_start3A_8 = arith.constant 0 : i32
    %dma_start3A_9 = tpu.memref_slice %arg5[%dma_start3A, %dma_start3A_8] : memref<50x128xi32, #tpu.memory_space<vmem>> -> memref<1x128xi32, #tpu.memory_space<vmem>>
    %dma_start3A_10 = tpu.memref_squeeze %dma_start3A_9 : memref<1x128xi32, #tpu.memory_space<vmem>> -> memref<128xi32, #tpu.memory_space<vmem>>
    %dma_start3A_11 = arith.constant 0 : i32
    %dma_start3A_12 = arith.constant 0 : i32
    %dma_start3A_13 = tpu.memref_slice %arg3[%dma_start3A_11, %dma_start3A_12] : memref<1000000x128xf32, #tpu.memory_space<hbm>> -> memref<1000000x128xf32, #tpu.memory_space<hbm>>
    tpu.enqueue_indirect_dma source(%dma_start3A_13 : memref<1000000x128xf32, #tpu.memory_space<hbm>>) target(%dma_start3A_7 : memref<128x128xf32, #tpu.memory_space<vmem>>) offsets(%dma_start3A_10 : memref<128xi32, #tpu.memory_space<vmem>>) semaphore(%arg7 : memref<!tpu.dma_semaphore, #tpu.memory_space<semaphore_mem>>)
    %dma_start3A_14 = arith.constant 1 : i32
    %dma_start3A_15 = arith.constant 1 : i32
    %dma_start3A_16 = arith.constant 0 : i32
    %dma_start3A_17 = arith.constant 0 : i32
    %dma_start3A_18 = tpu.memref_slice %arg6[%dma_start3A_15, %dma_start3A_16, %dma_start3A_17] : memref<5x128x128xf32, #tpu.memory_space<vmem>> -> memref<1x128x128xf32, #tpu.memory_space<vmem>>
    %dma_start3A_19 = tpu.memref_squeeze %dma_start3A_18 : memref<1x128x128xf32, #tpu.memory_space<vmem>> -> memref<128x128xf32, #tpu.memory_space<vmem>>
    %dma_start3A_20 = arith.constant 0 : i32
    %dma_start3A_21 = tpu.memref_slice %arg5[%dma_start3A_14, %dma_start3A_20] : memref<50x128xi32, #tpu.memory_space<vmem>> -> memref<1x128xi32, #tpu.memory_space<vmem>>
    %dma_start3A_22 = tpu.memref_squeeze %dma_start3A_21 : memref<1x128xi32, #tpu.memory_space<vmem>> -> memref<128xi32, #tpu.memory_space<vmem>>
    %dma_start3A_23 = arith.constant 0 : i32
    %dma_start3A_24 = arith.constant 0 : i32
    %dma_start3A_25 = tpu.memref_slice %arg3[%dma_start3A_23, %dma_start3A_24] : memref<1000000x128xf32, #tpu.memory_space<hbm>> -> memref<1000000x128xf32, #tpu.memory_space<hbm>>
    tpu.enqueue_indirect_dma source(%dma_start3A_25 : memref<1000000x128xf32, #tpu.memory_space<hbm>>) target(%dma_start3A_19 : memref<128x128xf32, #tpu.memory_space<vmem>>) offsets(%dma_start3A_22 : memref<128xi32, #tpu.memory_space<vmem>>) semaphore(%arg8 : memref<!tpu.dma_semaphore, #tpu.memory_space<semaphore_mem>>)
    %dma_start3A_26 = arith.constant 2 : i32
    %dma_start3A_27 = arith.constant 2 : i32
    %dma_start3A_28 = arith.constant 0 : i32
    %dma_start3A_29 = arith.constant 0 : i32
    %dma_start3A_30 = tpu.memref_slice %arg6[%dma_start3A_27, %dma_start3A_28, %dma_start3A_29] : memref<5x128x128xf32, #tpu.memory_space<vmem>> -> memref<1x128x128xf32, #tpu.memory_space<vmem>>
    %dma_start3A_31 = tpu.memref_squeeze %dma_start3A_30 : memref<1x128x128xf32, #tpu.memory_space<vmem>> -> memref<128x128xf32, #tpu.memory_space<vmem>>
    %dma_start3A_32 = arith.constant 0 : i32
    %dma_start3A_33 = tpu.memref_slice %arg5[%dma_start3A_26, %dma_start3A_32] : memref<50x128xi32, #tpu.memory_space<vmem>> -> memref<1x128xi32, #tpu.memory_space<vmem>>
    %dma_start3A_34 = tpu.memref_squeeze %dma_start3A_33 : memref<1x128xi32, #tpu.memory_space<vmem>> -> memref<128xi32, #tpu.memory_space<vmem>>
    %dma_start3A_35 = arith.constant 0 : i32
    %dma_start3A_36 = arith.constant 0 : i32
    %dma_start3A_37 = tpu.memref_slice %arg3[%dma_start3A_35, %dma_start3A_36] : memref<1000000x128xf32, #tpu.memory_space<hbm>> -> memref<1000000x128xf32, #tpu.memory_space<hbm>>
    tpu.enqueue_indirect_dma source(%dma_start3A_37 : memref<1000000x128xf32, #tpu.memory_space<hbm>>) target(%dma_start3A_31 : memref<128x128xf32, #tpu.memory_space<vmem>>) offsets(%dma_start3A_34 : memref<128xi32, #tpu.memory_space<vmem>>) semaphore(%arg9 : memref<!tpu.dma_semaphore, #tpu.memory_space<semaphore_mem>>)
    %scan3A = arith.constant 0 : i32
    %scan3A_38 = arith.constant 0 : i32
    %scan3A_39 = arith.constant 10 : i32
    %scan3A_40 = arith.addi %scan3A_38, %scan3A_39 : i32
    %scan3A_41 = arith.constant 1 : i32
    scf.for %scan3A_68 = %scan3A_38 to %scan3A_40 step %scan3A_41  : i32 {
      %mul3A_69 = arith.constant 5 : i32
      %mul3A_70 = arith.muli %scan3A_68, %mul3A_69 : i32
      %add3A_71 = arith.constant 0 : i32
      %add3A_72 = arith.addi %mul3A_70, %add3A_71 : i32
      %dma_wait3A_73 = arith.constant 0 : i32
      %dma_wait3A_74 = arith.constant 0 : i32
      %dma_wait3A_75 = arith.constant 0 : i32
      %dma_wait3A_76 = tpu.memref_slice %arg6[%dma_wait3A_73, %dma_wait3A_74, %dma_wait3A_75] : memref<5x128x128xf32, #tpu.memory_space<vmem>> -> memref<1x128x128xf32, #tpu.memory_space<vmem>>
      %dma_wait3A_77 = tpu.memref_squeeze %dma_wait3A_76 : memref<1x128x128xf32, #tpu.memory_space<vmem>> -> memref<128x128xf32, #tpu.memory_space<vmem>>
      %dma_wait3A_78 = arith.constant 0 : i32
      %dma_wait3A_79 = arith.constant 0 : i32
      %dma_wait3A_80 = tpu.memref_slice %arg3[%dma_wait3A_78, %dma_wait3A_79] : memref<1000000x128xf32, #tpu.memory_space<hbm>> -> memref<128x128xf32, #tpu.memory_space<hbm>>
      %dma_wait3A_81 = arith.constant 0 : i32
      %dma_wait3A_82 = arith.constant 0 : i32
      %dma_wait3A_83 = tpu.memref_slice %arg6[%dma_wait3A_73, %dma_wait3A_81, %dma_wait3A_82] : memref<5x128x128xf32, #tpu.memory_space<vmem>> -> memref<1x128x128xf32, #tpu.memory_space<vmem>>
      %dma_wait3A_84 = tpu.memref_squeeze %dma_wait3A_83 : memref<1x128x128xf32, #tpu.memory_space<vmem>> -> memref<128x128xf32, #tpu.memory_space<vmem>>
      %dma_wait3A_85 = arith.constant 0 : i32
      %dma_wait3A_86 = arith.constant 0 : i32
      %dma_wait3A_87 = tpu.memref_slice %arg3[%dma_wait3A_85, %dma_wait3A_86] : memref<1000000x128xf32, #tpu.memory_space<hbm>> -> memref<128x128xf32, #tpu.memory_space<hbm>>
      tpu.wait_dma2 semaphore(%arg7 : memref<!tpu.dma_semaphore, #tpu.memory_space<semaphore_mem>>) src(%dma_wait3A_87 : memref<128x128xf32, #tpu.memory_space<hbm>>) dst(%dma_wait3A_84 : memref<128x128xf32, #tpu.memory_space<vmem>>)
      %mul3A_88 = arith.constant 128 : i32
      %mul3A_89 = arith.muli %add3A_72, %mul3A_88 : i32
      %add3A_90 = arith.addi %mul3A_2, %mul3A_89 : i32
      %dma_start3A_91 = arith.constant 0 : i32
      %dma_start3A_92 = arith.constant 0 : i32
      %dma_start3A_93 = arith.constant 0 : i32
      %dma_start3A_94 = tpu.memref_slice %arg6[%dma_start3A_91, %dma_start3A_92, %dma_start3A_93] : memref<5x128x128xf32, #tpu.memory_space<vmem>> -> memref<1x128x128xf32, #tpu.memory_space<vmem>>
      %dma_start3A_95 = tpu.memref_squeeze %dma_start3A_94 : memref<1x128x128xf32, #tpu.memory_space<vmem>> -> memref<128x128xf32, #tpu.memory_space<vmem>>
      %dma_start3A_96 = arith.constant 0 : i32
      %dma_start3A_97 = tpu.memref_slice %arg4[%add3A_90, %dma_start3A_96] : memref<204800x128xf32, #tpu.memory_space<hbm>> -> memref<128x128xf32, #tpu.memory_space<hbm>>
      %dma_start3A_98 = arith.constant 0 : i32
      %dma_start3A_99 = tpu.memref_slice %arg4[%add3A_90, %dma_start3A_98] : memref<204800x128xf32, #tpu.memory_space<hbm>> -> memref<128x128xf32, #tpu.memory_space<hbm>>
      %dma_start3A_100 = arith.constant 0 : i32
      %dma_start3A_101 = arith.constant 0 : i32
      %dma_start3A_102 = tpu.memref_slice %arg6[%dma_start3A_91, %dma_start3A_100, %dma_start3A_101] : memref<5x128x128xf32, #tpu.memory_space<vmem>> -> memref<1x128x128xf32, #tpu.memory_space<vmem>>
      %dma_start3A_103 = tpu.memref_squeeze %dma_start3A_102 : memref<1x128x128xf32, #tpu.memory_space<vmem>> -> memref<128x128xf32, #tpu.memory_space<vmem>>
      tpu.enqueue_dma source(%dma_start3A_103 : memref<128x128xf32, #tpu.memory_space<vmem>>) target(%dma_start3A_99 : memref<128x128xf32, #tpu.memory_space<hbm>>) target_semaphore(%arg12 : memref<!tpu.dma_semaphore, #tpu.memory_space<semaphore_mem>>)
      %ge3A = arith.constant 1 : i32
      %ge3A_104 = arith.cmpi sge, %scan3A_68, %ge3A : i32
      %convert_element_type3A = arith.extui %ge3A_104 : i1 to i32
      %cond3A = arith.constant 0 : i32
      %cond3A_105 = arith.cmpi ne, %convert_element_type3A, %cond3A : i32
      scf.if %cond3A_105 {
        %dma_wait3A_330 = arith.constant 3 : i32
        %dma_wait3A_331 = arith.constant 0 : i32
        %dma_wait3A_332 = arith.constant 0 : i32
        %dma_wait3A_333 = tpu.memref_slice %arg6[%dma_wait3A_330, %dma_wait3A_331, %dma_wait3A_332] : memref<5x128x128xf32, #tpu.memory_space<vmem>> -> memref<1x128x128xf32, #tpu.memory_space<vmem>>
        %dma_wait3A_334 = tpu.memref_squeeze %dma_wait3A_333 : memref<1x128x128xf32, #tpu.memory_space<vmem>> -> memref<128x128xf32, #tpu.memory_space<vmem>>
        %dma_wait3A_335 = arith.constant 0 : i32
        %dma_wait3A_336 = tpu.memref_slice %arg4[%mul3A_2, %dma_wait3A_335] : memref<204800x128xf32, #tpu.memory_space<hbm>> -> memref<128x128xf32, #tpu.memory_space<hbm>>
        %dma_wait3A_337 = arith.constant 0 : i32
        %dma_wait3A_338 = tpu.memref_slice %arg4[%mul3A_2, %dma_wait3A_337] : memref<204800x128xf32, #tpu.memory_space<hbm>> -> memref<128x128xf32, #tpu.memory_space<hbm>>
        %dma_wait3A_339 = arith.constant 0 : i32
        %dma_wait3A_340 = arith.constant 0 : i32
        %dma_wait3A_341 = tpu.memref_slice %arg6[%dma_wait3A_330, %dma_wait3A_339, %dma_wait3A_340] : memref<5x128x128xf32, #tpu.memory_space<vmem>> -> memref<1x128x128xf32, #tpu.memory_space<vmem>>
        %dma_wait3A_342 = tpu.memref_squeeze %dma_wait3A_341 : memref<1x128x128xf32, #tpu.memory_space<vmem>> -> memref<128x128xf32, #tpu.memory_space<vmem>>
        tpu.wait_dma2 semaphore(%arg15 : memref<!tpu.dma_semaphore, #tpu.memory_space<semaphore_mem>>) src(%dma_wait3A_342 : memref<128x128xf32, #tpu.memory_space<vmem>>) dst(%dma_wait3A_338 : memref<128x128xf32, #tpu.memory_space<hbm>>)
      } else {
      }
      %add3A_106 = arith.constant 3 : i32
      %add3A_107 = arith.addi %add3A_72, %add3A_106 : i32
      %dma_start3A_108 = arith.constant 3 : i32
      %dma_start3A_109 = arith.constant 0 : i32
      %dma_start3A_110 = arith.constant 0 : i32
      %dma_start3A_111 = tpu.memref_slice %arg6[%dma_start3A_108, %dma_start3A_109, %dma_start3A_110] : memref<5x128x128xf32, #tpu.memory_space<vmem>> -> memref<1x128x128xf32, #tpu.memory_space<vmem>>
      %dma_start3A_112 = tpu.memref_squeeze %dma_start3A_111 : memref<1x128x128xf32, #tpu.memory_space<vmem>> -> memref<128x128xf32, #tpu.memory_space<vmem>>
      %dma_start3A_113 = arith.constant 0 : i32
      %dma_start3A_114 = tpu.memref_slice %arg5[%add3A_107, %dma_start3A_113] : memref<50x128xi32, #tpu.memory_space<vmem>> -> memref<1x128xi32, #tpu.memory_space<vmem>>
      %dma_start3A_115 = tpu.memref_squeeze %dma_start3A_114 : memref<1x128xi32, #tpu.memory_space<vmem>> -> memref<128xi32, #tpu.memory_space<vmem>>
      %dma_start3A_116 = arith.constant 0 : i32
      %dma_start3A_117 = arith.constant 0 : i32
      %dma_start3A_118 = tpu.memref_slice %arg3[%dma_start3A_116, %dma_start3A_117] : memref<1000000x128xf32, #tpu.memory_space<hbm>> -> memref<1000000x128xf32, #tpu.memory_space<hbm>>
      tpu.enqueue_indirect_dma source(%dma_start3A_118 : memref<1000000x128xf32, #tpu.memory_space<hbm>>) target(%dma_start3A_112 : memref<128x128xf32, #tpu.memory_space<vmem>>) offsets(%dma_start3A_115 : memref<128xi32, #tpu.memory_space<vmem>>) semaphore(%arg10 : memref<!tpu.dma_semaphore, #tpu.memory_space<semaphore_mem>>)
      %mul3A_119 = arith.constant 5 : i32
      %mul3A_120 = arith.muli %scan3A_68, %mul3A_119 : i32
      %add3A_121 = arith.constant 1 : i32
      %add3A_122 = arith.addi %mul3A_120, %add3A_121 : i32
      %dma_wait3A_123 = arith.constant 1 : i32
      %dma_wait3A_124 = arith.constant 0 : i32
      %dma_wait3A_125 = arith.constant 0 : i32
      %dma_wait3A_126 = tpu.memref_slice %arg6[%dma_wait3A_123, %dma_wait3A_124, %dma_wait3A_125] : memref<5x128x128xf32, #tpu.memory_space<vmem>> -> memref<1x128x128xf32, #tpu.memory_space<vmem>>
      %dma_wait3A_127 = tpu.memref_squeeze %dma_wait3A_126 : memref<1x128x128xf32, #tpu.memory_space<vmem>> -> memref<128x128xf32, #tpu.memory_space<vmem>>
      %dma_wait3A_128 = arith.constant 0 : i32
      %dma_wait3A_129 = arith.constant 0 : i32
      %dma_wait3A_130 = tpu.memref_slice %arg3[%dma_wait3A_128, %dma_wait3A_129] : memref<1000000x128xf32, #tpu.memory_space<hbm>> -> memref<128x128xf32, #tpu.memory_space<hbm>>
      %dma_wait3A_131 = arith.constant 0 : i32
      %dma_wait3A_132 = arith.constant 0 : i32
      %dma_wait3A_133 = tpu.memref_slice %arg6[%dma_wait3A_123, %dma_wait3A_131, %dma_wait3A_132] : memref<5x128x128xf32, #tpu.memory_space<vmem>> -> memref<1x128x128xf32, #tpu.memory_space<vmem>>
      %dma_wait3A_134 = tpu.memref_squeeze %dma_wait3A_133 : memref<1x128x128xf32, #tpu.memory_space<vmem>> -> memref<128x128xf32, #tpu.memory_space<vmem>>
      %dma_wait3A_135 = arith.constant 0 : i32
      %dma_wait3A_136 = arith.constant 0 : i32
      %dma_wait3A_137 = tpu.memref_slice %arg3[%dma_wait3A_135, %dma_wait3A_136] : memref<1000000x128xf32, #tpu.memory_space<hbm>> -> memref<128x128xf32, #tpu.memory_space<hbm>>
      tpu.wait_dma2 semaphore(%arg8 : memref<!tpu.dma_semaphore, #tpu.memory_space<semaphore_mem>>) src(%dma_wait3A_137 : memref<128x128xf32, #tpu.memory_space<hbm>>) dst(%dma_wait3A_134 : memref<128x128xf32, #tpu.memory_space<vmem>>)
      %mul3A_138 = arith.constant 128 : i32
      %mul3A_139 = arith.muli %add3A_122, %mul3A_138 : i32
      %add3A_140 = arith.addi %mul3A_2, %mul3A_139 : i32
      %dma_start3A_141 = arith.constant 1 : i32
      %dma_start3A_142 = arith.constant 0 : i32
      %dma_start3A_143 = arith.constant 0 : i32
      %dma_start3A_144 = tpu.memref_slice %arg6[%dma_start3A_141, %dma_start3A_142, %dma_start3A_143] : memref<5x128x128xf32, #tpu.memory_space<vmem>> -> memref<1x128x128xf32, #tpu.memory_space<vmem>>
      %dma_start3A_145 = tpu.memref_squeeze %dma_start3A_144 : memref<1x128x128xf32, #tpu.memory_space<vmem>> -> memref<128x128xf32, #tpu.memory_space<vmem>>
      %dma_start3A_146 = arith.constant 0 : i32
      %dma_start3A_147 = tpu.memref_slice %arg4[%add3A_140, %dma_start3A_146] : memref<204800x128xf32, #tpu.memory_space<hbm>> -> memref<128x128xf32, #tpu.memory_space<hbm>>
      %dma_start3A_148 = arith.constant 0 : i32
      %dma_start3A_149 = tpu.memref_slice %arg4[%add3A_140, %dma_start3A_148] : memref<204800x128xf32, #tpu.memory_space<hbm>> -> memref<128x128xf32, #tpu.memory_space<hbm>>
      %dma_start3A_150 = arith.constant 0 : i32
      %dma_start3A_151 = arith.constant 0 : i32
      %dma_start3A_152 = tpu.memref_slice %arg6[%dma_start3A_141, %dma_start3A_150, %dma_start3A_151] : memref<5x128x128xf32, #tpu.memory_space<vmem>> -> memref<1x128x128xf32, #tpu.memory_space<vmem>>
      %dma_start3A_153 = tpu.memref_squeeze %dma_start3A_152 : memref<1x128x128xf32, #tpu.memory_space<vmem>> -> memref<128x128xf32, #tpu.memory_space<vmem>>
      tpu.enqueue_dma source(%dma_start3A_153 : memref<128x128xf32, #tpu.memory_space<vmem>>) target(%dma_start3A_149 : memref<128x128xf32, #tpu.memory_space<hbm>>) target_semaphore(%arg13 : memref<!tpu.dma_semaphore, #tpu.memory_space<semaphore_mem>>)
      %ge3A_154 = arith.constant 1 : i32
      %ge3A_155 = arith.cmpi sge, %scan3A_68, %ge3A_154 : i32
      %convert_element_type3A_156 = arith.extui %ge3A_155 : i1 to i32
      %cond3A_157 = arith.constant 0 : i32
      %cond3A_158 = arith.cmpi ne, %convert_element_type3A_156, %cond3A_157 : i32
      scf.if %cond3A_158 {
        %dma_wait3A_330 = arith.constant 4 : i32
        %dma_wait3A_331 = arith.constant 0 : i32
        %dma_wait3A_332 = arith.constant 0 : i32
        %dma_wait3A_333 = tpu.memref_slice %arg6[%dma_wait3A_330, %dma_wait3A_331, %dma_wait3A_332] : memref<5x128x128xf32, #tpu.memory_space<vmem>> -> memref<1x128x128xf32, #tpu.memory_space<vmem>>
        %dma_wait3A_334 = tpu.memref_squeeze %dma_wait3A_333 : memref<1x128x128xf32, #tpu.memory_space<vmem>> -> memref<128x128xf32, #tpu.memory_space<vmem>>
        %dma_wait3A_335 = arith.constant 0 : i32
        %dma_wait3A_336 = tpu.memref_slice %arg4[%mul3A_2, %dma_wait3A_335] : memref<204800x128xf32, #tpu.memory_space<hbm>> -> memref<128x128xf32, #tpu.memory_space<hbm>>
        %dma_wait3A_337 = arith.constant 0 : i32
        %dma_wait3A_338 = tpu.memref_slice %arg4[%mul3A_2, %dma_wait3A_337] : memref<204800x128xf32, #tpu.memory_space<hbm>> -> memref<128x128xf32, #tpu.memory_space<hbm>>
        %dma_wait3A_339 = arith.constant 0 : i32
        %dma_wait3A_340 = arith.constant 0 : i32
        %dma_wait3A_341 = tpu.memref_slice %arg6[%dma_wait3A_330, %dma_wait3A_339, %dma_wait3A_340] : memref<5x128x128xf32, #tpu.memory_space<vmem>> -> memref<1x128x128xf32, #tpu.memory_space<vmem>>
        %dma_wait3A_342 = tpu.memref_squeeze %dma_wait3A_341 : memref<1x128x128xf32, #tpu.memory_space<vmem>> -> memref<128x128xf32, #tpu.memory_space<vmem>>
        tpu.wait_dma2 semaphore(%arg16 : memref<!tpu.dma_semaphore, #tpu.memory_space<semaphore_mem>>) src(%dma_wait3A_342 : memref<128x128xf32, #tpu.memory_space<vmem>>) dst(%dma_wait3A_338 : memref<128x128xf32, #tpu.memory_space<hbm>>)
      } else {
      }
      %add3A_159 = arith.constant 3 : i32
      %add3A_160 = arith.addi %add3A_122, %add3A_159 : i32
      %dma_start3A_161 = arith.constant 4 : i32
      %dma_start3A_162 = arith.constant 0 : i32
      %dma_start3A_163 = arith.constant 0 : i32
      %dma_start3A_164 = tpu.memref_slice %arg6[%dma_start3A_161, %dma_start3A_162, %dma_start3A_163] : memref<5x128x128xf32, #tpu.memory_space<vmem>> -> memref<1x128x128xf32, #tpu.memory_space<vmem>>
      %dma_start3A_165 = tpu.memref_squeeze %dma_start3A_164 : memref<1x128x128xf32, #tpu.memory_space<vmem>> -> memref<128x128xf32, #tpu.memory_space<vmem>>
      %dma_start3A_166 = arith.constant 0 : i32
      %dma_start3A_167 = tpu.memref_slice %arg5[%add3A_160, %dma_start3A_166] : memref<50x128xi32, #tpu.memory_space<vmem>> -> memref<1x128xi32, #tpu.memory_space<vmem>>
      %dma_start3A_168 = tpu.memref_squeeze %dma_start3A_167 : memref<1x128xi32, #tpu.memory_space<vmem>> -> memref<128xi32, #tpu.memory_space<vmem>>
      %dma_start3A_169 = arith.constant 0 : i32
      %dma_start3A_170 = arith.constant 0 : i32
      %dma_start3A_171 = tpu.memref_slice %arg3[%dma_start3A_169, %dma_start3A_170] : memref<1000000x128xf32, #tpu.memory_space<hbm>> -> memref<1000000x128xf32, #tpu.memory_space<hbm>>
      tpu.enqueue_indirect_dma source(%dma_start3A_171 : memref<1000000x128xf32, #tpu.memory_space<hbm>>) target(%dma_start3A_165 : memref<128x128xf32, #tpu.memory_space<vmem>>) offsets(%dma_start3A_168 : memref<128xi32, #tpu.memory_space<vmem>>) semaphore(%arg11 : memref<!tpu.dma_semaphore, #tpu.memory_space<semaphore_mem>>)
      %mul3A_172 = arith.constant 5 : i32
      %mul3A_173 = arith.muli %scan3A_68, %mul3A_172 : i32
      %add3A_174 = arith.constant 2 : i32
      %add3A_175 = arith.addi %mul3A_173, %add3A_174 : i32
      %dma_wait3A_176 = arith.constant 2 : i32
      %dma_wait3A_177 = arith.constant 0 : i32
      %dma_wait3A_178 = arith.constant 0 : i32
      %dma_wait3A_179 = tpu.memref_slice %arg6[%dma_wait3A_176, %dma_wait3A_177, %dma_wait3A_178] : memref<5x128x128xf32, #tpu.memory_space<vmem>> -> memref<1x128x128xf32, #tpu.memory_space<vmem>>
      %dma_wait3A_180 = tpu.memref_squeeze %dma_wait3A_179 : memref<1x128x128xf32, #tpu.memory_space<vmem>> -> memref<128x128xf32, #tpu.memory_space<vmem>>
      %dma_wait3A_181 = arith.constant 0 : i32
      %dma_wait3A_182 = arith.constant 0 : i32
      %dma_wait3A_183 = tpu.memref_slice %arg3[%dma_wait3A_181, %dma_wait3A_182] : memref<1000000x128xf32, #tpu.memory_space<hbm>> -> memref<128x128xf32, #tpu.memory_space<hbm>>
      %dma_wait3A_184 = arith.constant 0 : i32
      %dma_wait3A_185 = arith.constant 0 : i32
      %dma_wait3A_186 = tpu.memref_slice %arg6[%dma_wait3A_176, %dma_wait3A_184, %dma_wait3A_185] : memref<5x128x128xf32, #tpu.memory_space<vmem>> -> memref<1x128x128xf32, #tpu.memory_space<vmem>>
      %dma_wait3A_187 = tpu.memref_squeeze %dma_wait3A_186 : memref<1x128x128xf32, #tpu.memory_space<vmem>> -> memref<128x128xf32, #tpu.memory_space<vmem>>
      %dma_wait3A_188 = arith.constant 0 : i32
      %dma_wait3A_189 = arith.constant 0 : i32
      %dma_wait3A_190 = tpu.memref_slice %arg3[%dma_wait3A_188, %dma_wait3A_189] : memref<1000000x128xf32, #tpu.memory_space<hbm>> -> memref<128x128xf32, #tpu.memory_space<hbm>>
      tpu.wait_dma2 semaphore(%arg9 : memref<!tpu.dma_semaphore, #tpu.memory_space<semaphore_mem>>) src(%dma_wait3A_190 : memref<128x128xf32, #tpu.memory_space<hbm>>) dst(%dma_wait3A_187 : memref<128x128xf32, #tpu.memory_space<vmem>>)
      %mul3A_191 = arith.constant 128 : i32
      %mul3A_192 = arith.muli %add3A_175, %mul3A_191 : i32
      %add3A_193 = arith.addi %mul3A_2, %mul3A_192 : i32
      %dma_start3A_194 = arith.constant 2 : i32
      %dma_start3A_195 = arith.constant 0 : i32
      %dma_start3A_196 = arith.constant 0 : i32
      %dma_start3A_197 = tpu.memref_slice %arg6[%dma_start3A_194, %dma_start3A_195, %dma_start3A_196] : memref<5x128x128xf32, #tpu.memory_space<vmem>> -> memref<1x128x128xf32, #tpu.memory_space<vmem>>
      %dma_start3A_198 = tpu.memref_squeeze %dma_start3A_197 : memref<1x128x128xf32, #tpu.memory_space<vmem>> -> memref<128x128xf32, #tpu.memory_space<vmem>>
      %dma_start3A_199 = arith.constant 0 : i32
      %dma_start3A_200 = tpu.memref_slice %arg4[%add3A_193, %dma_start3A_199] : memref<204800x128xf32, #tpu.memory_space<hbm>> -> memref<128x128xf32, #tpu.memory_space<hbm>>
      %dma_start3A_201 = arith.constant 0 : i32
      %dma_start3A_202 = tpu.memref_slice %arg4[%add3A_193, %dma_start3A_201] : memref<204800x128xf32, #tpu.memory_space<hbm>> -> memref<128x128xf32, #tpu.memory_space<hbm>>
      %dma_start3A_203 = arith.constant 0 : i32
      %dma_start3A_204 = arith.constant 0 : i32
      %dma_start3A_205 = tpu.memref_slice %arg6[%dma_start3A_194, %dma_start3A_203, %dma_start3A_204] : memref<5x128x128xf32, #tpu.memory_space<vmem>> -> memref<1x128x128xf32, #tpu.memory_space<vmem>>
      %dma_start3A_206 = tpu.memref_squeeze %dma_start3A_205 : memref<1x128x128xf32, #tpu.memory_space<vmem>> -> memref<128x128xf32, #tpu.memory_space<vmem>>
      tpu.enqueue_dma source(%dma_start3A_206 : memref<128x128xf32, #tpu.memory_space<vmem>>) target(%dma_start3A_202 : memref<128x128xf32, #tpu.memory_space<hbm>>) target_semaphore(%arg14 : memref<!tpu.dma_semaphore, #tpu.memory_space<semaphore_mem>>)
      %dma_wait3A_207 = arith.constant 0 : i32
      %dma_wait3A_208 = arith.constant 0 : i32
      %dma_wait3A_209 = arith.constant 0 : i32
      %dma_wait3A_210 = tpu.memref_slice %arg6[%dma_wait3A_207, %dma_wait3A_208, %dma_wait3A_209] : memref<5x128x128xf32, #tpu.memory_space<vmem>> -> memref<1x128x128xf32, #tpu.memory_space<vmem>>
      %dma_wait3A_211 = tpu.memref_squeeze %dma_wait3A_210 : memref<1x128x128xf32, #tpu.memory_space<vmem>> -> memref<128x128xf32, #tpu.memory_space<vmem>>
      %dma_wait3A_212 = arith.constant 0 : i32
      %dma_wait3A_213 = tpu.memref_slice %arg4[%mul3A_2, %dma_wait3A_212] : memref<204800x128xf32, #tpu.memory_space<hbm>> -> memref<128x128xf32, #tpu.memory_space<hbm>>
      %dma_wait3A_214 = arith.constant 0 : i32
      %dma_wait3A_215 = tpu.memref_slice %arg4[%mul3A_2, %dma_wait3A_214] : memref<204800x128xf32, #tpu.memory_space<hbm>> -> memref<128x128xf32, #tpu.memory_space<hbm>>
      %dma_wait3A_216 = arith.constant 0 : i32
      %dma_wait3A_217 = arith.constant 0 : i32
      %dma_wait3A_218 = tpu.memref_slice %arg6[%dma_wait3A_207, %dma_wait3A_216, %dma_wait3A_217] : memref<5x128x128xf32, #tpu.memory_space<vmem>> -> memref<1x128x128xf32, #tpu.memory_space<vmem>>
      %dma_wait3A_219 = tpu.memref_squeeze %dma_wait3A_218 : memref<1x128x128xf32, #tpu.memory_space<vmem>> -> memref<128x128xf32, #tpu.memory_space<vmem>>
      tpu.wait_dma2 semaphore(%arg12 : memref<!tpu.dma_semaphore, #tpu.memory_space<semaphore_mem>>) src(%dma_wait3A_219 : memref<128x128xf32, #tpu.memory_space<vmem>>) dst(%dma_wait3A_215 : memref<128x128xf32, #tpu.memory_space<hbm>>)
      %lt3A = arith.constant 9 : i32
      %lt3A_220 = arith.cmpi slt, %scan3A_68, %lt3A : i32
      %convert_element_type3A_221 = arith.extui %lt3A_220 : i1 to i32
      %cond3A_222 = arith.constant 0 : i32
      %cond3A_223 = arith.cmpi ne, %convert_element_type3A_221, %cond3A_222 : i32
      scf.if %cond3A_223 {
        %add3A_330 = arith.constant 3 : i32
        %add3A_331 = arith.addi %add3A_175, %add3A_330 : i32
        %dma_start3A_332 = arith.constant 0 : i32
        %dma_start3A_333 = arith.constant 0 : i32
        %dma_start3A_334 = arith.constant 0 : i32
        %dma_start3A_335 = tpu.memref_slice %arg6[%dma_start3A_332, %dma_start3A_333, %dma_start3A_334] : memref<5x128x128xf32, #tpu.memory_space<vmem>> -> memref<1x128x128xf32, #tpu.memory_space<vmem>>
        %dma_start3A_336 = tpu.memref_squeeze %dma_start3A_335 : memref<1x128x128xf32, #tpu.memory_space<vmem>> -> memref<128x128xf32, #tpu.memory_space<vmem>>
        %dma_start3A_337 = arith.constant 0 : i32
        %dma_start3A_338 = tpu.memref_slice %arg5[%add3A_331, %dma_start3A_337] : memref<50x128xi32, #tpu.memory_space<vmem>> -> memref<1x128xi32, #tpu.memory_space<vmem>>
        %dma_start3A_339 = tpu.memref_squeeze %dma_start3A_338 : memref<1x128xi32, #tpu.memory_space<vmem>> -> memref<128xi32, #tpu.memory_space<vmem>>
        %dma_start3A_340 = arith.constant 0 : i32
        %dma_start3A_341 = arith.constant 0 : i32
        %dma_start3A_342 = tpu.memref_slice %arg3[%dma_start3A_340, %dma_start3A_341] : memref<1000000x128xf32, #tpu.memory_space<hbm>> -> memref<1000000x128xf32, #tpu.memory_space<hbm>>
        tpu.enqueue_indirect_dma source(%dma_start3A_342 : memref<1000000x128xf32, #tpu.memory_space<hbm>>) target(%dma_start3A_336 : memref<128x128xf32, #tpu.memory_space<vmem>>) offsets(%dma_start3A_339 : memref<128xi32, #tpu.memory_space<vmem>>) semaphore(%arg7 : memref<!tpu.dma_semaphore, #tpu.memory_space<semaphore_mem>>)
      } else {
      }
      %mul3A_224 = arith.constant 5 : i32
      %mul3A_225 = arith.muli %scan3A_68, %mul3A_224 : i32
      %add3A_226 = arith.constant 3 : i32
      %add3A_227 = arith.addi %mul3A_225, %add3A_226 : i32
      %dma_wait3A_228 = arith.constant 3 : i32
      %dma_wait3A_229 = arith.constant 0 : i32
      %dma_wait3A_230 = arith.constant 0 : i32
      %dma_wait3A_231 = tpu.memref_slice %arg6[%dma_wait3A_228, %dma_wait3A_229, %dma_wait3A_230] : memref<5x128x128xf32, #tpu.memory_space<vmem>> -> memref<1x128x128xf32, #tpu.memory_space<vmem>>
      %dma_wait3A_232 = tpu.memref_squeeze %dma_wait3A_231 : memref<1x128x128xf32, #tpu.memory_space<vmem>> -> memref<128x128xf32, #tpu.memory_space<vmem>>
      %dma_wait3A_233 = arith.constant 0 : i32
      %dma_wait3A_234 = arith.constant 0 : i32
      %dma_wait3A_235 = tpu.memref_slice %arg3[%dma_wait3A_233, %dma_wait3A_234] : memref<1000000x128xf32, #tpu.memory_space<hbm>> -> memref<128x128xf32, #tpu.memory_space<hbm>>
      %dma_wait3A_236 = arith.constant 0 : i32
      %dma_wait3A_237 = arith.constant 0 : i32
      %dma_wait3A_238 = tpu.memref_slice %arg6[%dma_wait3A_228, %dma_wait3A_236, %dma_wait3A_237] : memref<5x128x128xf32, #tpu.memory_space<vmem>> -> memref<1x128x128xf32, #tpu.memory_space<vmem>>
      %dma_wait3A_239 = tpu.memref_squeeze %dma_wait3A_238 : memref<1x128x128xf32, #tpu.memory_space<vmem>> -> memref<128x128xf32, #tpu.memory_space<vmem>>
      %dma_wait3A_240 = arith.constant 0 : i32
      %dma_wait3A_241 = arith.constant 0 : i32
      %dma_wait3A_242 = tpu.memref_slice %arg3[%dma_wait3A_240, %dma_wait3A_241] : memref<1000000x128xf32, #tpu.memory_space<hbm>> -> memref<128x128xf32, #tpu.memory_space<hbm>>
      tpu.wait_dma2 semaphore(%arg10 : memref<!tpu.dma_semaphore, #tpu.memory_space<semaphore_mem>>) src(%dma_wait3A_242 : memref<128x128xf32, #tpu.memory_space<hbm>>) dst(%dma_wait3A_239 : memref<128x128xf32, #tpu.memory_space<vmem>>)
      %mul3A_243 = arith.constant 128 : i32
      %mul3A_244 = arith.muli %add3A_227, %mul3A_243 : i32
      %add3A_245 = arith.addi %mul3A_2, %mul3A_244 : i32
      %dma_start3A_246 = arith.constant 3 : i32
      %dma_start3A_247 = arith.constant 0 : i32
      %dma_start3A_248 = arith.constant 0 : i32
      %dma_start3A_249 = tpu.memref_slice %arg6[%dma_start3A_246, %dma_start3A_247, %dma_start3A_248] : memref<5x128x128xf32, #tpu.memory_space<vmem>> -> memref<1x128x128xf32, #tpu.memory_space<vmem>>
      %dma_start3A_250 = tpu.memref_squeeze %dma_start3A_249 : memref<1x128x128xf32, #tpu.memory_space<vmem>> -> memref<128x128xf32, #tpu.memory_space<vmem>>
      %dma_start3A_251 = arith.constant 0 : i32
      %dma_start3A_252 = tpu.memref_slice %arg4[%add3A_245, %dma_start3A_251] : memref<204800x128xf32, #tpu.memory_space<hbm>> -> memref<128x128xf32, #tpu.memory_space<hbm>>
      %dma_start3A_253 = arith.constant 0 : i32
      %dma_start3A_254 = tpu.memref_slice %arg4[%add3A_245, %dma_start3A_253] : memref<204800x128xf32, #tpu.memory_space<hbm>> -> memref<128x128xf32, #tpu.memory_space<hbm>>
      %dma_start3A_255 = arith.constant 0 : i32
      %dma_start3A_256 = arith.constant 0 : i32
      %dma_start3A_257 = tpu.memref_slice %arg6[%dma_start3A_246, %dma_start3A_255, %dma_start3A_256] : memref<5x128x128xf32, #tpu.memory_space<vmem>> -> memref<1x128x128xf32, #tpu.memory_space<vmem>>
      %dma_start3A_258 = tpu.memref_squeeze %dma_start3A_257 : memref<1x128x128xf32, #tpu.memory_space<vmem>> -> memref<128x128xf32, #tpu.memory_space<vmem>>
      tpu.enqueue_dma source(%dma_start3A_258 : memref<128x128xf32, #tpu.memory_space<vmem>>) target(%dma_start3A_254 : memref<128x128xf32, #tpu.memory_space<hbm>>) target_semaphore(%arg15 : memref<!tpu.dma_semaphore, #tpu.memory_space<semaphore_mem>>)
      %dma_wait3A_259 = arith.constant 1 : i32
      %dma_wait3A_260 = arith.constant 0 : i32
      %dma_wait3A_261 = arith.constant 0 : i32
      %dma_wait3A_262 = tpu.memref_slice %arg6[%dma_wait3A_259, %dma_wait3A_260, %dma_wait3A_261] : memref<5x128x128xf32, #tpu.memory_space<vmem>> -> memref<1x128x128xf32, #tpu.memory_space<vmem>>
      %dma_wait3A_263 = tpu.memref_squeeze %dma_wait3A_262 : memref<1x128x128xf32, #tpu.memory_space<vmem>> -> memref<128x128xf32, #tpu.memory_space<vmem>>
      %dma_wait3A_264 = arith.constant 0 : i32
      %dma_wait3A_265 = tpu.memref_slice %arg4[%mul3A_2, %dma_wait3A_264] : memref<204800x128xf32, #tpu.memory_space<hbm>> -> memref<128x128xf32, #tpu.memory_space<hbm>>
      %dma_wait3A_266 = arith.constant 0 : i32
      %dma_wait3A_267 = tpu.memref_slice %arg4[%mul3A_2, %dma_wait3A_266] : memref<204800x128xf32, #tpu.memory_space<hbm>> -> memref<128x128xf32, #tpu.memory_space<hbm>>
      %dma_wait3A_268 = arith.constant 0 : i32
      %dma_wait3A_269 = arith.constant 0 : i32
      %dma_wait3A_270 = tpu.memref_slice %arg6[%dma_wait3A_259, %dma_wait3A_268, %dma_wait3A_269] : memref<5x128x128xf32, #tpu.memory_space<vmem>> -> memref<1x128x128xf32, #tpu.memory_space<vmem>>
      %dma_wait3A_271 = tpu.memref_squeeze %dma_wait3A_270 : memref<1x128x128xf32, #tpu.memory_space<vmem>> -> memref<128x128xf32, #tpu.memory_space<vmem>>
      tpu.wait_dma2 semaphore(%arg13 : memref<!tpu.dma_semaphore, #tpu.memory_space<semaphore_mem>>) src(%dma_wait3A_271 : memref<128x128xf32, #tpu.memory_space<vmem>>) dst(%dma_wait3A_267 : memref<128x128xf32, #tpu.memory_space<hbm>>)
      %lt3A_272 = arith.constant 9 : i32
      %lt3A_273 = arith.cmpi slt, %scan3A_68, %lt3A_272 : i32
      %convert_element_type3A_274 = arith.extui %lt3A_273 : i1 to i32
      %cond3A_275 = arith.constant 0 : i32
      %cond3A_276 = arith.cmpi ne, %convert_element_type3A_274, %cond3A_275 : i32
      scf.if %cond3A_276 {
        %add3A_330 = arith.constant 3 : i32
        %add3A_331 = arith.addi %add3A_227, %add3A_330 : i32
        %dma_start3A_332 = arith.constant 1 : i32
        %dma_start3A_333 = arith.constant 0 : i32
        %dma_start3A_334 = arith.constant 0 : i32
        %dma_start3A_335 = tpu.memref_slice %arg6[%dma_start3A_332, %dma_start3A_333, %dma_start3A_334] : memref<5x128x128xf32, #tpu.memory_space<vmem>> -> memref<1x128x128xf32, #tpu.memory_space<vmem>>
        %dma_start3A_336 = tpu.memref_squeeze %dma_start3A_335 : memref<1x128x128xf32, #tpu.memory_space<vmem>> -> memref<128x128xf32, #tpu.memory_space<vmem>>
        %dma_start3A_337 = arith.constant 0 : i32
        %dma_start3A_338 = tpu.memref_slice %arg5[%add3A_331, %dma_start3A_337] : memref<50x128xi32, #tpu.memory_space<vmem>> -> memref<1x128xi32, #tpu.memory_space<vmem>>
        %dma_start3A_339 = tpu.memref_squeeze %dma_start3A_338 : memref<1x128xi32, #tpu.memory_space<vmem>> -> memref<128xi32, #tpu.memory_space<vmem>>
        %dma_start3A_340 = arith.constant 0 : i32
        %dma_start3A_341 = arith.constant 0 : i32
        %dma_start3A_342 = tpu.memref_slice %arg3[%dma_start3A_340, %dma_start3A_341] : memref<1000000x128xf32, #tpu.memory_space<hbm>> -> memref<1000000x128xf32, #tpu.memory_space<hbm>>
        tpu.enqueue_indirect_dma source(%dma_start3A_342 : memref<1000000x128xf32, #tpu.memory_space<hbm>>) target(%dma_start3A_336 : memref<128x128xf32, #tpu.memory_space<vmem>>) offsets(%dma_start3A_339 : memref<128xi32, #tpu.memory_space<vmem>>) semaphore(%arg8 : memref<!tpu.dma_semaphore, #tpu.memory_space<semaphore_mem>>)
      } else {
      }
      %mul3A_277 = arith.constant 5 : i32
      %mul3A_278 = arith.muli %scan3A_68, %mul3A_277 : i32
      %add3A_279 = arith.constant 4 : i32
      %add3A_280 = arith.addi %mul3A_278, %add3A_279 : i32
      %dma_wait3A_281 = arith.constant 4 : i32
      %dma_wait3A_282 = arith.constant 0 : i32
      %dma_wait3A_283 = arith.constant 0 : i32
      %dma_wait3A_284 = tpu.memref_slice %arg6[%dma_wait3A_281, %dma_wait3A_282, %dma_wait3A_283] : memref<5x128x128xf32, #tpu.memory_space<vmem>> -> memref<1x128x128xf32, #tpu.memory_space<vmem>>
      %dma_wait3A_285 = tpu.memref_squeeze %dma_wait3A_284 : memref<1x128x128xf32, #tpu.memory_space<vmem>> -> memref<128x128xf32, #tpu.memory_space<vmem>>
      %dma_wait3A_286 = arith.constant 0 : i32
      %dma_wait3A_287 = arith.constant 0 : i32
      %dma_wait3A_288 = tpu.memref_slice %arg3[%dma_wait3A_286, %dma_wait3A_287] : memref<1000000x128xf32, #tpu.memory_space<hbm>> -> memref<128x128xf32, #tpu.memory_space<hbm>>
      %dma_wait3A_289 = arith.constant 0 : i32
      %dma_wait3A_290 = arith.constant 0 : i32
      %dma_wait3A_291 = tpu.memref_slice %arg6[%dma_wait3A_281, %dma_wait3A_289, %dma_wait3A_290] : memref<5x128x128xf32, #tpu.memory_space<vmem>> -> memref<1x128x128xf32, #tpu.memory_space<vmem>>
      %dma_wait3A_292 = tpu.memref_squeeze %dma_wait3A_291 : memref<1x128x128xf32, #tpu.memory_space<vmem>> -> memref<128x128xf32, #tpu.memory_space<vmem>>
      %dma_wait3A_293 = arith.constant 0 : i32
      %dma_wait3A_294 = arith.constant 0 : i32
      %dma_wait3A_295 = tpu.memref_slice %arg3[%dma_wait3A_293, %dma_wait3A_294] : memref<1000000x128xf32, #tpu.memory_space<hbm>> -> memref<128x128xf32, #tpu.memory_space<hbm>>
      tpu.wait_dma2 semaphore(%arg11 : memref<!tpu.dma_semaphore, #tpu.memory_space<semaphore_mem>>) src(%dma_wait3A_295 : memref<128x128xf32, #tpu.memory_space<hbm>>) dst(%dma_wait3A_292 : memref<128x128xf32, #tpu.memory_space<vmem>>)
      %mul3A_296 = arith.constant 128 : i32
      %mul3A_297 = arith.muli %add3A_280, %mul3A_296 : i32
      %add3A_298 = arith.addi %mul3A_2, %mul3A_297 : i32
      %dma_start3A_299 = arith.constant 4 : i32
      %dma_start3A_300 = arith.constant 0 : i32
      %dma_start3A_301 = arith.constant 0 : i32
      %dma_start3A_302 = tpu.memref_slice %arg6[%dma_start3A_299, %dma_start3A_300, %dma_start3A_301] : memref<5x128x128xf32, #tpu.memory_space<vmem>> -> memref<1x128x128xf32, #tpu.memory_space<vmem>>
      %dma_start3A_303 = tpu.memref_squeeze %dma_start3A_302 : memref<1x128x128xf32, #tpu.memory_space<vmem>> -> memref<128x128xf32, #tpu.memory_space<vmem>>
      %dma_start3A_304 = arith.constant 0 : i32
      %dma_start3A_305 = tpu.memref_slice %arg4[%add3A_298, %dma_start3A_304] : memref<204800x128xf32, #tpu.memory_space<hbm>> -> memref<128x128xf32, #tpu.memory_space<hbm>>
      %dma_start3A_306 = arith.constant 0 : i32
      %dma_start3A_307 = tpu.memref_slice %arg4[%add3A_298, %dma_start3A_306] : memref<204800x128xf32, #tpu.memory_space<hbm>> -> memref<128x128xf32, #tpu.memory_space<hbm>>
      %dma_start3A_308 = arith.constant 0 : i32
      %dma_start3A_309 = arith.constant 0 : i32
      %dma_start3A_310 = tpu.memref_slice %arg6[%dma_start3A_299, %dma_start3A_308, %dma_start3A_309] : memref<5x128x128xf32, #tpu.memory_space<vmem>> -> memref<1x128x128xf32, #tpu.memory_space<vmem>>
      %dma_start3A_311 = tpu.memref_squeeze %dma_start3A_310 : memref<1x128x128xf32, #tpu.memory_space<vmem>> -> memref<128x128xf32, #tpu.memory_space<vmem>>
      tpu.enqueue_dma source(%dma_start3A_311 : memref<128x128xf32, #tpu.memory_space<vmem>>) target(%dma_start3A_307 : memref<128x128xf32, #tpu.memory_space<hbm>>) target_semaphore(%arg16 : memref<!tpu.dma_semaphore, #tpu.memory_space<semaphore_mem>>)
      %dma_wait3A_312 = arith.constant 2 : i32
      %dma_wait3A_313 = arith.constant 0 : i32
      %dma_wait3A_314 = arith.constant 0 : i32
      %dma_wait3A_315 = tpu.memref_slice %arg6[%dma_wait3A_312, %dma_wait3A_313, %dma_wait3A_314] : memref<5x128x128xf32, #tpu.memory_space<vmem>> -> memref<1x128x128xf32, #tpu.memory_space<vmem>>
      %dma_wait3A_316 = tpu.memref_squeeze %dma_wait3A_315 : memref<1x128x128xf32, #tpu.memory_space<vmem>> -> memref<128x128xf32, #tpu.memory_space<vmem>>
      %dma_wait3A_317 = arith.constant 0 : i32
      %dma_wait3A_318 = tpu.memref_slice %arg4[%mul3A_2, %dma_wait3A_317] : memref<204800x128xf32, #tpu.memory_space<hbm>> -> memref<128x128xf32, #tpu.memory_space<hbm>>
      %dma_wait3A_319 = arith.constant 0 : i32
      %dma_wait3A_320 = tpu.memref_slice %arg4[%mul3A_2, %dma_wait3A_319] : memref<204800x128xf32, #tpu.memory_space<hbm>> -> memref<128x128xf32, #tpu.memory_space<hbm>>
      %dma_wait3A_321 = arith.constant 0 : i32
      %dma_wait3A_322 = arith.constant 0 : i32
      %dma_wait3A_323 = tpu.memref_slice %arg6[%dma_wait3A_312, %dma_wait3A_321, %dma_wait3A_322] : memref<5x128x128xf32, #tpu.memory_space<vmem>> -> memref<1x128x128xf32, #tpu.memory_space<vmem>>
      %dma_wait3A_324 = tpu.memref_squeeze %dma_wait3A_323 : memref<1x128x128xf32, #tpu.memory_space<vmem>> -> memref<128x128xf32, #tpu.memory_space<vmem>>
      tpu.wait_dma2 semaphore(%arg14 : memref<!tpu.dma_semaphore, #tpu.memory_space<semaphore_mem>>) src(%dma_wait3A_324 : memref<128x128xf32, #tpu.memory_space<vmem>>) dst(%dma_wait3A_320 : memref<128x128xf32, #tpu.memory_space<hbm>>)
      %lt3A_325 = arith.constant 9 : i32
      %lt3A_326 = arith.cmpi slt, %scan3A_68, %lt3A_325 : i32
      %convert_element_type3A_327 = arith.extui %lt3A_326 : i1 to i32
      %cond3A_328 = arith.constant 0 : i32
      %cond3A_329 = arith.cmpi ne, %convert_element_type3A_327, %cond3A_328 : i32
      scf.if %cond3A_329 {
        %add3A_330 = arith.constant 3 : i32
        %add3A_331 = arith.addi %add3A_280, %add3A_330 : i32
        %dma_start3A_332 = arith.constant 2 : i32
        %dma_start3A_333 = arith.constant 0 : i32
        %dma_start3A_334 = arith.constant 0 : i32
        %dma_start3A_335 = tpu.memref_slice %arg6[%dma_start3A_332, %dma_start3A_333, %dma_start3A_334] : memref<5x128x128xf32, #tpu.memory_space<vmem>> -> memref<1x128x128xf32, #tpu.memory_space<vmem>>
        %dma_start3A_336 = tpu.memref_squeeze %dma_start3A_335 : memref<1x128x128xf32, #tpu.memory_space<vmem>> -> memref<128x128xf32, #tpu.memory_space<vmem>>
        %dma_start3A_337 = arith.constant 0 : i32
        %dma_start3A_338 = tpu.memref_slice %arg5[%add3A_331, %dma_start3A_337] : memref<50x128xi32, #tpu.memory_space<vmem>> -> memref<1x128xi32, #tpu.memory_space<vmem>>
        %dma_start3A_339 = tpu.memref_squeeze %dma_start3A_338 : memref<1x128xi32, #tpu.memory_space<vmem>> -> memref<128xi32, #tpu.memory_space<vmem>>
        %dma_start3A_340 = arith.constant 0 : i32
        %dma_start3A_341 = arith.constant 0 : i32
        %dma_start3A_342 = tpu.memref_slice %arg3[%dma_start3A_340, %dma_start3A_341] : memref<1000000x128xf32, #tpu.memory_space<hbm>> -> memref<1000000x128xf32, #tpu.memory_space<hbm>>
        tpu.enqueue_indirect_dma source(%dma_start3A_342 : memref<1000000x128xf32, #tpu.memory_space<hbm>>) target(%dma_start3A_336 : memref<128x128xf32, #tpu.memory_space<vmem>>) offsets(%dma_start3A_339 : memref<128xi32, #tpu.memory_space<vmem>>) semaphore(%arg9 : memref<!tpu.dma_semaphore, #tpu.memory_space<semaphore_mem>>)
      } else {
      }
    }
    %scan3A_42 = arith.constant 10 : i32
    %dma_wait3A = arith.constant 3 : i32
    %dma_wait3A_43 = arith.constant 0 : i32
    %dma_wait3A_44 = arith.constant 0 : i32
    %dma_wait3A_45 = tpu.memref_slice %arg6[%dma_wait3A, %dma_wait3A_43, %dma_wait3A_44] : memref<5x128x128xf32, #tpu.memory_space<vmem>> -> memref<1x128x128xf32, #tpu.memory_space<vmem>>
    %dma_wait3A_46 = tpu.memref_squeeze %dma_wait3A_45 : memref<1x128x128xf32, #tpu.memory_space<vmem>> -> memref<128x128xf32, #tpu.memory_space<vmem>>
    %dma_wait3A_47 = arith.constant 0 : i32
    %dma_wait3A_48 = tpu.memref_slice %arg4[%mul3A_2, %dma_wait3A_47] : memref<204800x128xf32, #tpu.memory_space<hbm>> -> memref<128x128xf32, #tpu.memory_space<hbm>>
    %dma_wait3A_49 = arith.constant 0 : i32
    %dma_wait3A_50 = tpu.memref_slice %arg4[%mul3A_2, %dma_wait3A_49] : memref<204800x128xf32, #tpu.memory_space<hbm>> -> memref<128x128xf32, #tpu.memory_space<hbm>>
    %dma_wait3A_51 = arith.constant 0 : i32
    %dma_wait3A_52 = arith.constant 0 : i32
    %dma_wait3A_53 = tpu.memref_slice %arg6[%dma_wait3A, %dma_wait3A_51, %dma_wait3A_52] : memref<5x128x128xf32, #tpu.memory_space<vmem>> -> memref<1x128x128xf32, #tpu.memory_space<vmem>>
    %dma_wait3A_54 = tpu.memref_squeeze %dma_wait3A_53 : memref<1x128x128xf32, #tpu.memory_space<vmem>> -> memref<128x128xf32, #tpu.memory_space<vmem>>
    tpu.wait_dma2 semaphore(%arg15 : memref<!tpu.dma_semaphore, #tpu.memory_space<semaphore_mem>>) src(%dma_wait3A_54 : memref<128x128xf32, #tpu.memory_space<vmem>>) dst(%dma_wait3A_50 : memref<128x128xf32, #tpu.memory_space<hbm>>)
    %dma_wait3A_55 = arith.constant 4 : i32
    %dma_wait3A_56 = arith.constant 0 : i32
    %dma_wait3A_57 = arith.constant 0 : i32
    %dma_wait3A_58 = tpu.memref_slice %arg6[%dma_wait3A_55, %dma_wait3A_56, %dma_wait3A_57] : memref<5x128x128xf32, #tpu.memory_space<vmem>> -> memref<1x128x128xf32, #tpu.memory_space<vmem>>
    %dma_wait3A_59 = tpu.memref_squeeze %dma_wait3A_58 : memref<1x128x128xf32, #tpu.memory_space<vmem>> -> memref<128x128xf32, #tpu.memory_space<vmem>>
    %dma_wait3A_60 = arith.constant 0 : i32
    %dma_wait3A_61 = tpu.memref_slice %arg4[%mul3A_2, %dma_wait3A_60] : memref<204800x128xf32, #tpu.memory_space<hbm>> -> memref<128x128xf32, #tpu.memory_space<hbm>>
    %dma_wait3A_62 = arith.constant 0 : i32
    %dma_wait3A_63 = tpu.memref_slice %arg4[%mul3A_2, %dma_wait3A_62] : memref<204800x128xf32, #tpu.memory_space<hbm>> -> memref<128x128xf32, #tpu.memory_space<hbm>>
    %dma_wait3A_64 = arith.constant 0 : i32
    %dma_wait3A_65 = arith.constant 0 : i32
    %dma_wait3A_66 = tpu.memref_slice %arg6[%dma_wait3A_55, %dma_wait3A_64, %dma_wait3A_65] : memref<5x128x128xf32, #tpu.memory_space<vmem>> -> memref<1x128x128xf32, #tpu.memory_space<vmem>>
    %dma_wait3A_67 = tpu.memref_squeeze %dma_wait3A_66 : memref<1x128x128xf32, #tpu.memory_space<vmem>> -> memref<128x128xf32, #tpu.memory_space<vmem>>
    tpu.wait_dma2 semaphore(%arg16 : memref<!tpu.dma_semaphore, #tpu.memory_space<semaphore_mem>>) src(%dma_wait3A_67 : memref<128x128xf32, #tpu.memory_space<vmem>>) dst(%dma_wait3A_63 : memref<128x128xf32, #tpu.memory_space<hbm>>)
    return
  }
}

</mosaic_0001>

<sc_bundles>
// kernel: kernel.3.cloned.1.call-start
scs
__scs_entry_jumppad:
0x0: {  	(pc) =	sbr.rel $0x88, $3  }
0x1: {  	(tag) =	ssettag $0x0;
	lr =	simm.s32 $0x1  }
0x2: {  	[smem:$0x3F9F] =	sst lr;
	_ =	strace $0xD0000000  }
0x3: {  	_ = 	snop  }
0x4: {  	_ = 	snop  }
0x5: {  	_ = 	snop  }
0x6: {  	_ = 	snop  }
0x7: {  	_ = 	snop  }
__scs_overlays_trampoline_lowered:
0x8: {  	[smem:$0x3FAE] =	sst s0  }
0x9: {  	[smem:$0x3FAF] =	sst s1  }
0xa: {  	[smem:$0x3FB0] =	sst s2  }
0xb: {  	[smem:$0x3FB1] =	sst s3  }
0xc: {  	[smem:$0x3FB2] =	sst s4  }
0xd: {  	[smem:$0x3FB3] =	sst s5  }
0xe: {  	[smem:$0x3FB4] =	sst s6  }
0xf: {  	[smem:$0x3FB5] =	sst s7  }
0x10: {  	[smem:$0x3FB6] =	sst s8  }
0x11: {  	[smem:$0x3FB7] =	sst s9;
	s0 =	simm.s32 @!p0 $0x0  }
0x12: {  	s1 =	sld [smem:$0x3F9D];
	s0 =	simm.s32 @p0 $0x1  }
0x13: {  	[smem:$0x3FB8] =	sst s0;
	s0 =	simm.s32 @!p1 $0x0  }
0x14: {  	s2 =	sld [smem:$0x3F9C];
	s0 =	simm.s32 @p1 $0x1  }
0x15: {  	[smem:$0x3FB9] =	sst s0;
	s0 =	simm.s32 @!p2 $0x0  }
0x16: {  	s3 =	sld [smem:$0x3FDB];
	s0 =	simm.s32 @p2 $0x1  }
0x17: {  	s4 =	simm.s32 $0x1BF5;
	[smem:$0x3FBB] =	sst s0  }
0x18: {  	s0 =	sld [smem:$0x3F9E];
	_ =	swait.ge [sflag:s4], $0x0  }
0x19: {  	s7 =	sld [smem:$0x3F9F]  }
0x1a: {  	s8 =	sadd.s32 $0xFFFFE003, lr  }
0x1b: {  	s9 =	sadd.s32 $0xFFFFFEF7, lr;
	s5 =	simm.s32 $0xFFFFFFFF;
	p2 =	slt.u32 s8, $0xFFFFF086  }
0x1c: {  	p1 =	slt.u32 s9, $0xF7A;
	s5 =	simm.s32 @!p2 $0x0  }
0x1d: {  	s5 =	simm.s32 @p1 $0x1;
	p0 =	seq.s32 s7, s2  }
0x1e: {  	s7 =	smul.u32 @!p0 $0xF7A, s2;
	p2 =	seq.s32 @!p0 s5, $0x0  }
0x1f: {  	s9 =	smul.u32 $0xF7A, s1;
	s8 =	simm.s32 @!p0 $0x1BF5;
	p2 =	por !p2, p0  }
0x20: {  	[sflag:s8] =	ssyncset.s32 @!p0 $0xFFFFF086;
	s6 =	sadd.s32 @!p0 s3, s7;
	s7 =	simm.s32 @!p0 $0x108  }
0x21: {  	s3 =	sadd.s32 s3, s9;
	s6 =	sadd.s32 @!p0 $0x88, s6;
	s7 =	simm.s32 @p2 $0x1082  }
0x22: {  	[simem:s7], [sflag:s8] =	dma.local @!p0 [hbm:s6], $0xF7A  }
0x23: {  	s9 =	sor.u32 $0xD0000000, s2;
	s6 =	simm.s32 $0x108;
	_ =	swait.ge @!p0 [sflag:s8], $0x0  }
0x24: {  	s3 =	sadd.s32 $0x88, s3;
	s6 =	simm.s32 @!p1 $0x1082;
	[sflag:s4] =	ssyncset.s32 $0xFFFFF086  }
0x25: {  	[simem:s6], [sflag:s4] =	dma.local [hbm:s3], $0xF7A  }
0x26: {  	[smem:$0x3F9F] =	sst s1;
	(tag) =	ssettag s2;
	_ =	strace s9  }
0x27: {  	s1 =	sld [smem:$0x3FAF]  }
0x28: {  	s2 =	sld [smem:$0x3FB0]  }
0x29: {  	s4 =	sld [smem:$0x3FB2]  }
0x2a: {  	p0 =	seq.s32 s5, $0x0;
	s5 =	sld [smem:$0x3FB3]  }
0x2b: {  	s6 =	sld [smem:$0x3FB4]  }
0x2c: {  	s7 =	sld [smem:$0x3FB5]  }
0x2d: {  	s3 =	simm.s32 $0x108;
	s8 =	sld [smem:$0x3FB6]  }
0x2e: {  	s3 =	simm.s32 @!p0 $0x1082;
	s9 =	sld [smem:$0x3FB7]  }
0x2f: {  	lr =	sadd.s32 s0, s3;
	s0 =	sld [smem:$0x3FAE]  }
0x30: {  	s3 =	sld [smem:$0x3FB1]  }
0x31: {  	[smem:$0x3FBA] =	sst s10  }
0x32: {  	s10 =	sld [smem:$0x3FB8];
	_ =	sdelay $0x3  }
0x33: {  	p0 =	seq.s32 s10, $0x1;
	s10 =	sld [smem:$0x3FBA];
	_ =	sdelay $0x3  }
0x34: {  	[smem:$0x3FBA] =	sst s10  }
0x35: {  	s10 =	sld [smem:$0x3FB9];
	_ =	sdelay $0x3  }
0x36: {  	p1 =	seq.s32 s10, $0x1;
	s10 =	sld [smem:$0x3FBA];
	_ =	sdelay $0x3  }
0x37: {  	[smem:$0x3FBA] =	sst s10  }
0x38: {  	s10 =	sld [smem:$0x3FBB]  }
0x39: {  	_ = 	snop;
	(pc) =	sbr.ind lr, $3  }
0x3a: {  	_ = 	snop  }
0x3b: {  	_ = 	snop  }
0x3c: {  	p2 =	seq.s32 s10, $0x1;
	s10 =	sld [smem:$0x3FBA]  }
0x3d: {  	_ =	shalt  }
0x3e: {  	_ =	shalt  }
0x3f: {  	_ =	shalt  }
0x40: {  	_ =	shalt  }
0x41: {  	_ =	shalt  }
0x42: {  	_ =	shalt  }
0x43: {  	_ =	shalt  }
0x44: {  	_ =	shalt  }
0x45: {  	_ =	shalt  }
0x46: {  	_ =	shalt  }
0x47: {  	_ =	shalt  }
0x48: {  	_ =	shalt  }
0x49: {  	_ =	shalt  }
0x4a: {  	_ =	shalt  }
0x4b: {  	_ =	shalt  }
0x4c: {  	_ =	shalt  }
0x4d: {  	_ =	shalt  }
0x4e: {  	_ =	shalt  }
0x4f: {  	_ =	shalt  }
0x50: {  	_ =	shalt  }
0x51: {  	_ =	shalt  }
0x52: {  	_ =	shalt  }
0x53: {  	_ =	shalt  }
0x54: {  	_ =	shalt  }
0x55: {  	_ =	shalt  }
0x56: {  	_ =	shalt  }
0x57: {  	_ =	shalt  }
0x58: {  	_ =	shalt  }
0x59: {  	_ =	shalt  }
0x5a: {  	_ =	shalt  }
0x5b: {  	_ =	shalt  }
0x5c: {  	_ =	shalt  }
0x5d: {  	_ =	shalt  }
0x5e: {  	_ =	shalt  }
0x5f: {  	_ =	shalt  }
0x60: {  	_ =	shalt  }
0x61: {  	_ =	shalt  }
0x62: {  	_ =	shalt  }
0x63: {  	_ =	shalt  }
0x64: {  	_ =	shalt  }
0x65: {  	_ =	shalt  }
0x66: {  	_ =	shalt  }
0x67: {  	_ =	shalt  }
0x68: {  	_ =	shalt  }
0x69: {  	_ =	shalt  }
0x6a: {  	_ =	shalt  }
0x6b: {  	_ =	shalt  }
0x6c: {  	_ =	shalt  }
0x6d: {  	_ =	shalt  }
0x6e: {  	_ =	shalt  }
0x6f: {  	_ =	shalt  }
0x70: {  	_ =	shalt  }
0x71: {  	_ =	shalt  }
0x72: {  	_ =	shalt  }
0x73: {  	_ =	shalt  }
0x74: {  	_ =	shalt  }
0x75: {  	_ =	shalt  }
0x76: {  	_ =	shalt  }
0x77: {  	_ =	shalt  }
0x78: {  	_ =	shalt  }
0x79: {  	_ =	shalt  }
0x7a: {  	_ =	shalt  }
0x7b: {  	_ =	shalt  }
0x7c: {  	_ =	shalt  }
0x7d: {  	_ =	shalt  }
0x7e: {  	_ =	shalt  }
0x7f: {  	_ =	shalt  }
0x80: {  	_ =	shalt  }
0x81: {  	_ =	shalt  }
0x82: {  	_ =	shalt  }
0x83: {  	_ =	shalt  }
0x84: {  	_ =	shalt  }
0x85: {  	_ =	shalt  }
0x86: {  	_ =	shalt  }
0x87: {  	_ =	shalt  }
.Lfunc_end0:
.L_simem_size_0:
called_computation_lowered:
.L_overlay_start_0:
0x88: {  	s2 =	sld [smem:$0x3FD9]  }
0x89: {  	s3 =	sld [smem:$0x3FFE];
	_ =	sdelay $0x1  }
0x8a: {  	s1 =	srdreg.scid  }
0x8b: {  	s0 =	sand.u32 $0x1, s1  }
0x8c: {  	s17 =	sshll.u32 s0, $0xA;
	s2 =	sadd.s32 s3, s2  }
0x8d: {  	s2 =	sadd.s32 s2, s17  }
0x8e: {  	[smem:$0x3FC6] =	sst s2  }
0x8f: {  	_ = 	snop  }
0x90: {  	s2 =	sld [smem:$0x3FC8]  }
0x91: {  	s18 =	sld [smem:$0x3FD0];
	(tm) =	ssettm $0x1  }
0x92: {  	s4 =	sld [smem:$0x3FFB];
	_ =	sdelay $0x3  }
0x93: {  	_ =	strace s4  }
0x94: {  	s4 =	sld [smem:$0x3FFC];
	_ =	sdelay $0x3  }
0x95: {  	_ =	strace s4  }
0x96: {  	s4 =	sld [smem:$0x3FFD];
	_ =	sdelay $0x3  }
0x97: {  	_ =	strace s4  }
0x98: {  	_ =	strace $0x8FFFFFFF  }
0x99: {  	s19 =	sld [smem:$0x3FDB];
	_ =	sdelay $0x1  }
0x9a: {  	s5 =	simm.s32 $_scs_section_size  }
0x9b: {  	s6 =	simm.s32 $_size__tile_overlayer_lowered;
	s7 =	simm.s32 $_tile_overlayer_lowered  }
0x9c: {  	s22 =	simm.s32 $0x1BFF;
	s21 =	sshll.u32 s7, $0x1;
	s4 =	sadd.s32 s5, s19  }
0x9d: {  	s8 =	simm.s32 $0x0;
	s20 =	sshll.u32 s6, $0x1;
	s6 =	sadd.s32 s21, s4  }
0x9e: {  	[timem:s8], [sflag:s22] =	dma.local [hbm:s6], s20  }
0x9f: {  	_ =	swait.ge [sflag:s22], s20  }
0xa0: {  	s5 =	ssub.s32 $0x0, s20;
	[sflag:s22] =	ssyncset.done $0x0  }
0xa1: {  	[sflag:s22] =	ssyncadd.s32 s5;
	_ =	sdelay $0x1  }
0xa2: {  	s23 =	simm.s32 $0x1B8B  }
0xa3: {  	_ =	swait.ge [sflag:s23], $0x1  }
0xa4: {  	[sflag:s23] =	ssyncset.done $0x0  }
0xa5: {  	s25 =	simm.s32 $0x1B8E;
	s24 =	sld [smem:$0x3FFE];
	[sflag:s23] =	ssyncadd.s32 $0xFFFFFFFF  }
0xa6: {  	s26 =	simm.s32 $execute0_lowered;
	[smem:$0x3FD2] =	sst s25  }
0xa7: {  	s6 =	sshll.u32 s26, $0x1;
	_ =	strace $0x80000046;
	[dreg:$0x1] =	wrdreg $0xFFFFFFFF  }
0xa8: {  	s28 =	simm.s32 $_size_execute0_lowered;
	s4 =	sadd.s32 s4, s6;
	[dreg:$0x0] =	wrdreg $0x0  }
0xa9: {  	s6 =	sshll.u32 s28, $0x1;
	[dreg:$0x2] =	wrdreg s4  }
0xaa: {  	[dreg:$0x3] =	wrdreg s6  }
0xab: {  	[dreg:$0x4] =	wrdreg $0xC0  }
0xac: {  	_ =	task [dreg:s8], $0x5FFFF  }
0xad: {  	[dreg:$0x1] =	wrdreg $0xFFFFFFFF  }
0xae: {  	[dreg:$0x0] =	wrdreg $0x60  }
0xaf: {  	[dreg:$0x2] =	wrdreg s24  }
0xb0: {  	[dreg:$0x3] =	wrdreg s2  }
0xb1: {  	[dreg:$0x4] =	wrdreg s18  }
0xb2: {  	[dreg:$0x5] =	wrdreg $0x9  }
0xb3: {  	_ =	task.clear_ibuf [dreg:s8], $0x6FFFF;
	_ =	strace $0x90000046  }
0xb4: {  	s29 =	simm.s32 $0x9;
	_ =	strace $0x80000048  }
0xb5: {  	_ =	swait.ge [sflag:s29], $0x1  }
0xb6: {  	[sflag:s29] =	ssyncadd.s32 $0xFFFFFFFF  }
0xb7: {  	_ =	strace $0x90000048  }
0xb8: {  	_ =	sfence  }
0xb9: {  	s30 =	sld [smem:$0x0];
	_ =	sdelay $0x2  }
0xba: {  	s31 =	sshll.u32 s1, $0xD;
	s1 =	sshrl.u32 s1, $0x2  }
0xbb: {  	s3 =	sand.u32 $0x4000, s31;
	s1 =	sadd.s32 s1, s30  }
0xbc: {  	s0 =	sor.u32 s3, s0;
	s1 =	sshll.u32 s1, $0x11  }
0xbd: {  	s0 =	sor.u32 s1, s0  }
0xbe: {  	s0 =	sadd.s32 $0x8F2B, s0  }
0xbf: {  	[sflag:s0] =	ssyncadd.remote.s32 $0x1  }
0xc0: {  	_ =	sfence.sel $0xFFFF  }
0xc1: {  	[dreg:$0x0] =	wrdreg $0xFFFFFFFF;
	(pc) =	sbr.abs _section_cstart, $3  }
0xc2: {  	[dreg:$0x1] =	wrdreg $0xFFFFFFFF  }
0xc3: {  	_ =	task.clear_ibuf [dreg:s8], $0x2FFFF;
	_ =	strace $0x9FFFFFFF  }
0xc4: {  	(tm) =	ssettm $0x7FFFFFFF  }
0xc5: {  	_ =	shalt  }
tec
execute0_lowered:
.L_overlay_start_1:
0x0: {  	(tag) =	ssettag $0x1  }
0x1: {  	s4 =	rddreg [dreg:$0x0];
	s1 =	srdreg.scid  }
0x2: {  	s0 =	stileid.u32;
	s2 =	rddreg [dreg:$0x1]  }
0x3: {  	s6 =	rddreg [dreg:$0x2];
	s3 =	simm.s32 $0x0;
	s10 =	simm.s32 $0x5C00  }
0x4: {  	s11 =	simm.s32 $0x100;
	s12 =	simm.s32 $0x9C00;
	s13 =	simm.s32 $0x1  }
0x5: {  	s14 =	simm.s32 $0xDC00;
	s15 =	simm.s32 $0x2;
	s16 =	simm.s32 $0x11C00  }
0x6: {  	s17 =	simm.s32 $0x3;
	s18 =	simm.s32 $0x6;
	s19 =	simm.s32 $0x4  }
0x7: {  	s20 =	simm.s32 $0x7;
	s21 =	simm.s32 $0x5;
	s22 =	simm.s32 $0x8  }
0x8: {  	s5 =	sand.u32 $0x1, s1;
	s30 =	sshll.u32 s0, $0x1;
	s8 =	smul.u32 $0x32000, s0  }
0x9: {  	s7 =	sor.u32 s5, s30;
	s9 =	ssub.s32 $0x2, s5;
	s5 =	smul.u32 $0x19000, s5  }
0xa: {  	s23 =	simm.s32 $0x9;
	s24 =	simm.s32 $0xA;
	s7 =	smul.u32 $0x380, s7  }
.Ltmp0:
0xb: {  	s25 =	simm.s32 $0x0;
	[smem:$0x7FF] =	sst s3;
	(pc) =	sbr.rel .LBB2_1-.Ltmp0, $4  }
0xc: {  	_ =	strace $0x80000047;
	s31 =	sshrl.u32 s9, $0x1;
	s6 =	sadd.s32 s8, s6  }
0xd: {  	s8 =	simm.s32 $0x80;
	s6 =	sadd.s32 s5, s6;
	s4 =	sadd.s32 s7, s4  }
0xe: {  	s7 =	ssub.s32 s9, s31;
	s6 =	sadd.s32 $0x1000, s6;
	s9 =	simm.s32 $0x1C00  }
0xf: {  	s4 =	sadd.s32 $0x400, s4;
	s5 =	smax.u32 s7, $0x1;
	s7 =	simm.s32 $0xB  }
.LBB2_4:
0x10: {  	s25 =	sadd.s32 $0x1, s25  }
0x11: {  	_ =	swait.ge [sflag:s23], $0x4000;
	p0 =	sne.s32 s25, s5  }
.Ltmp1:
0x12: {  	[sflag:s23] =	ssyncset.done $0x0;
	(pc) =	sbr.rel @!p0 .LBB2_5-.Ltmp1, $4  }
0x13: {  	[sflag:s23] =	ssyncadd.s32 $0xFFFFC000  }
0x14: {  	_ =	swait.ge [sflag:s24], $0x4000  }
0x15: {  	[sflag:s24] =	ssyncset.done $0x0  }
0x16: {  	[sflag:s24] =	ssyncadd.s32 $0xFFFFC000  }
.LBB2_1:
0x17: {  	[tilespmem:s3], [sflag:$0xB] =	stream.linear.gather [hbm4b:s4+s3], $0x1900, $0x38;
	[tilespmem:$0x15C00] =	vst v63  }
0x18: {  	_ =	swait.ge [sflag:s7], $0x1900  }
0x19: {  	[sflag:s7] =	ssyncset.done $0x0  }
0x1a: {  	[sflag:s7] =	ssyncadd.s32 $0xFFFFE700  }
0x1b: {  	[tilespmem:s9], [sflag:$0x1] =	stream.indirect.gather [hbm4b:s2+s8], $0x80, s3, s8, $0xb8;
	[tilespmem:$0x15C00] =	vst v63  }
0x1c: {  	_ = 	snop  }
0x1d: {  	[tilespmem:s10], [sflag:$0x2] =	stream.indirect.gather [hbm4b:s2+s8], $0x80, s8, s8, $0xb8;
	[tilespmem:$0x15C00] =	vst v63  }
0x1e: {  	s26 =	smov.u32 s6;
	s28 =	simm.s32 $0x0  }
0x1f: {  	[tilespmem:s12], [sflag:$0x3] =	stream.indirect.gather [hbm4b:s2+s8], $0x80, s11, s8, $0xb8;
	[tilespmem:$0x15C00] =	vst v63  }
.LBB2_2:
0x20: {  	_ =	swait.ge [sflag:s13], $0x4000  }
0x21: {  	p0 =	seq.s32 s28, $0x0;
	[sflag:s13] =	ssyncset.done $0x0  }
0x22: {  	s29 =	sadd.s32 $0xFFFFF000, s26;
	s30 =	simm.s32 @!p0 $0x9;
	[sflag:s13] =	ssyncadd.s32 $0xFFFFC000  }
0x23: {  	[hbm4b:s29+s3] =	stream.linear.scatter [tilespmem:s9], [sflag:$0x6], $0x4000, $0x38;
	[tilespmem:$0x15C00] =	vst v63  }
0x24: {  	_ =	swait.ge @!p0 [sflag:s30], $0x4000  }
0x25: {  	s29 =	sshra.s32 s28, $0x2;
	[sflag:s30] =	ssyncset.done @!p0 $0x0  }
0x26: {  	s31 =	sadd.s32 $0x180, s29;
	[sflag:s30] =	ssyncadd.s32 @!p0 $0xFFFFC000  }
0x27: {  	[tilespmem:s14], [sflag:$0x4] =	stream.indirect.gather [hbm4b:s2+s8], $0x80, s31, s8, $0xb8;
	[tilespmem:$0x15C00] =	vst v63  }
0x28: {  	_ =	swait.ge [sflag:s15], $0x4000  }
0x29: {  	[sflag:s15] =	ssyncset.done $0x0  }
0x2a: {  	s0 =	sadd.s32 $0xFFFFF800, s26;
	s30 =	simm.s32 @!p0 $0xA;
	[sflag:s15] =	ssyncadd.s32 $0xFFFFC000  }
0x2b: {  	[hbm4b:s0+s3] =	stream.linear.scatter [tilespmem:s10], [sflag:$0x7], $0x4000, $0x38;
	[tilespmem:$0x15C00] =	vst v63  }
0x2c: {  	_ =	swait.ge @!p0 [sflag:s30], $0x4000  }
0x2d: {  	[sflag:s30] =	ssyncset.done @!p0 $0x0  }
0x2e: {  	s1 =	sadd.s32 $0x200, s29;
	[sflag:s30] =	ssyncadd.s32 @!p0 $0xFFFFC000  }
0x2f: {  	[tilespmem:s16], [sflag:$0x5] =	stream.indirect.gather [hbm4b:s2+s8], $0x80, s1, s8, $0xb8;
	[tilespmem:$0x15C00] =	vst v63  }
0x30: {  	_ =	swait.ge [sflag:s17], $0x4000  }
0x31: {  	[sflag:s17] =	ssyncset.done $0x0  }
0x32: {  	[sflag:s17] =	ssyncadd.s32 $0xFFFFC000  }
0x33: {  	[hbm4b:s26+s3] =	stream.linear.scatter [tilespmem:s12], [sflag:$0x8], $0x4000, $0x38;
	[tilespmem:$0x15C00] =	vst v63  }
0x34: {  	p0 =	seq.s32 s28, $0x5A00;
	_ =	swait.ge [sflag:s18], $0x4000  }
0x35: {  	s30 =	sshra.s32 @!p0 s28, $0x2;
	s1 =	simm.s32 @!p0 $0x80;
	[sflag:s18] =	ssyncset.done $0x0  }
0x36: {  	s0 =	simm.s32 @!p0 $0x1C00;
	s31 =	sadd.s32 @!p0 $0x280, s30;
	[sflag:s18] =	ssyncadd.s32 $0xFFFFC000  }
0x37: {  	[tilespmem:s0], [sflag:$0x1] =	stream.indirect.gather @!p0 [hbm4b:s2+s1], $0x80, s31, s1, $0xb8;
	[tilespmem:$0x15C00] =	vst v63  }
0x38: {  	_ =	swait.ge [sflag:s19], $0x4000  }
0x39: {  	[sflag:s19] =	ssyncset.done $0x0  }
0x3a: {  	s31 =	sadd.s32 $0x800, s26;
	[sflag:s19] =	ssyncadd.s32 $0xFFFFC000  }
0x3b: {  	[hbm4b:s31+s3] =	stream.linear.scatter [tilespmem:s14], [sflag:$0x9], $0x4000, $0x38;
	[tilespmem:$0x15C00] =	vst v63  }
0x3c: {  	_ =	swait.ge [sflag:s20], $0x4000  }
0x3d: {  	[sflag:s20] =	ssyncset.done $0x0  }
0x3e: {  	s0 =	sadd.s32 @!p0 $0x300, s30;
	s30 =	simm.s32 @!p0 $0x5C00;
	[sflag:s20] =	ssyncadd.s32 $0xFFFFC000  }
0x3f: {  	[tilespmem:s30], [sflag:$0x2] =	stream.indirect.gather @!p0 [hbm4b:s2+s1], $0x80, s0, s1, $0xb8;
	[tilespmem:$0x15C00] =	vst v63  }
0x40: {  	_ =	swait.ge [sflag:s21], $0x4000  }
0x41: {  	[sflag:s21] =	ssyncset.done $0x0  }
.Ltmp2:
0x42: {  	s31 =	sadd.s32 $0x1000, s26;
	[sflag:s21] =	ssyncadd.s32 $0xFFFFC000;
	(pc) =	sbr.rel @p0 .LBB2_4-.Ltmp2, $4  }
0x43: {  	[hbm4b:s31+s3] =	stream.linear.scatter [tilespmem:s16], [sflag:$0xA], $0x4000, $0x38;
	[tilespmem:$0x15C00] =	vst v63  }
0x44: {  	_ =	swait.ge [sflag:s22], $0x4000  }
0x45: {  	[sflag:s22] =	ssyncset.done $0x0  }
0x46: {  	[sflag:s22] =	ssyncadd.s32 $0xFFFFC000  }
.Ltmp3:
0x47: {  	(pc) =	sbr.rel .LBB2_2-.Ltmp3, $3  }
0x48: {  	_ =	sdelay $0x1  }
0x49: {  	s0 =	sadd.s32 $0x380, s29;
	s28 =	sadd.s32 $0xA00, s28;
	s26 =	sadd.s32 $0x2800, s26  }
0x4a: {  	[tilespmem:s12], [sflag:$0x3] =	stream.indirect.gather [hbm4b:s2+s8], $0x80, s0, s8, $0xb8;
	[tilespmem:$0x15C00] =	vst v63  }
.LBB2_5:
0x4b: {  	_ =	sfence.sel $0x180000  }
0x4c: {  	[bflag:$0x0] =	sbarrier.arrive $0xFFFF  }
0x4d: {  	_ =	strace $0x90000047  }
0x4e: {  	s0 =	stileid.u32;
	[bflag:$0x2] =	sbarrier.arrive $0xFFFF  }
0x4f: {  	p0 =	sne.s32 s0, $0x0;
	s0 =	rddreg [dreg:$0x3]  }
0x50: {  	s0 =	sadd.s32 @!p0 $0x100000, s0  }
0x51: {  	[sflag:s0] =	ssyncadd.tile.s32 @!p0 $0x1;
	_ =	shalt  }
.Lfunc_end2:
_tile_overlayer_lowered:
.L_overlay_start_2:
0x52: {  	(tag) =	ssettag $0x2  }
0x53: {  	s0 =	rddreg [dreg:$0x0];
	s2 =	stileid.u32  }
0x54: {  	s1 =	rddreg [dreg:$0x1];
	p0 =	sne.s32 s2, $0x0  }
0x55: {  	s3 =	rddreg [dreg:$0x2];
	[bflag:$0x3] =	sbarrier.arrive $0xFFFF;
	s2 =	simm.s32 @!p0 $0x1C0B  }
0x56: {  	[timem:s3], [sflag:s2] =	dma.local @!p0 [hbm:s0], s1  }
0x57: {  	s0 =	simm.s32 @!p0 $0xB  }
0x58: {  	_ =	swait.ge @!p0 [sflag:s0], s1  }
0x59: {  	s1 =	ssub.s32 @!p0 $0x0, s1;
	[sflag:s0] =	ssyncset.done @!p0 $0x0  }
0x5a: {  	[sflag:s0] =	ssyncadd.s32 @!p0 s1  }
0x5b: {  	[bflag:$0x3] =	sbarrier.arrive $0xFFFF  }
0x5c: {  	_ =	shalt  }

</sc_bundles>
